<compile_context>
chip_gen: v7x
topology: tpu7x:2x2x1
jax: 0.10.2.dev20260603
libtpu: 0.0.44.dev20260713+nightly
codegen_flags: <defaults>
</compile_context>

<pallas_src>
import functools

import jax
import jax.numpy as jnp
from jax import lax
from jax.experimental import pallas as pl
from jax.experimental.pallas import tpu as pltpu
from jax.experimental.pallas import tpu_sc as plsc

B = 32
T = 128
D = 512
E = 256
K = 8192
N = B * T
COMMIT = 0.25

BLK = 256
NBLK = N // BLK
KSLICE = K // NBLK

NC = 2
NS = 16
NW = NC * NS
ROWS = N // NW


def _tc_body(s_ref, ns_ref, ws_ref, bs_ref, wp_ref, bp_ref, cb_ref,
             cbs_ref, idx_ref, enc_ref, cbt_ref, loss_ref,
             perp_ref, csq_ref, cnt_ref, dmin_ref):
    i = pl.program_id(0)

    @pl.when(i == 0)
    def _init():
        csq_ref[...] = jnp.sum(cb_ref[...] * cb_ref[...], axis=0,
                               keepdims=True)
        cnt_ref[...] = jnp.zeros_like(cnt_ref)
        dmin_ref[0] = 0.0

    cbt_ref[...] = cbs_ref[...].T

    se = jnp.dot(s_ref[...], ws_ref[...],
                 preferred_element_type=jnp.float32) + bs_ref[...]
    ne = jnp.dot(ns_ref[...], ws_ref[...],
                 preferred_element_type=jnp.float32) + bs_ref[...]
    h = jax.nn.gelu(jnp.concatenate([se, ne], axis=-1))
    f = jnp.dot(h, wp_ref[...],
                preferred_element_type=jnp.float32) + bp_ref[...]

    rowsq = jnp.sum(f * f, axis=1, keepdims=True)
    m = jnp.dot(2.0 * f, cb_ref[...], preferred_element_type=jnp.float32)
    d = (rowsq - m) + csq_ref[...]

    idx = jnp.argmin(d, axis=1).astype(jnp.int32)
    idx_ref[0, 0, :] = idx
    enc = (lax.broadcasted_iota(jnp.int32, (BLK, K), 1)
           == idx[:, None]).astype(jnp.float32)
    enc_ref[...] = enc
    cnt_ref[...] += jnp.sum(enc, axis=0, keepdims=True)
    dmin_ref[0] += jnp.sum(jnp.min(d, axis=1))

    @pl.when(i == NBLK - 1)
    def _fini():
        loss_ref[...] = jnp.full((1, 1), (COMMIT / (N * E)) * dmin_ref[0],
                                 dtype=jnp.float32)
        p = cnt_ref[...] * (1.0 / N)
        perp = jnp.exp(-jnp.sum(p * jnp.log(p + 1e-10)))
        perp_ref[...] = jnp.full((1, 1), perp, dtype=jnp.float32)


_tc_call = pl.pallas_call(
    _tc_body,
    grid=(NBLK,),
    in_specs=[
        pl.BlockSpec((BLK, D), lambda i: (i, 0)),
        pl.BlockSpec((BLK, D), lambda i: (i, 0)),
        pl.BlockSpec((D, E), lambda i: (0, 0)),
        pl.BlockSpec((1, E), lambda i: (0, 0)),
        pl.BlockSpec((2 * E, E), lambda i: (0, 0)),
        pl.BlockSpec((1, E), lambda i: (0, 0)),
        pl.BlockSpec((E, K), lambda i: (0, 0)),
        pl.BlockSpec((E, KSLICE), lambda i: (0, i)),
    ],
    out_specs=[
        pl.BlockSpec((1, 1, BLK), lambda i: (i, 0, 0)),
        pl.BlockSpec((BLK, K), lambda i: (i, 0)),
        pl.BlockSpec((KSLICE, E), lambda i: (i, 0)),
        pl.BlockSpec((1, 1), lambda i: (0, 0)),
        pl.BlockSpec((1, 1), lambda i: (0, 0)),
    ],
    out_shape=[
        jax.ShapeDtypeStruct((NBLK, 1, BLK), jnp.int32),
        jax.ShapeDtypeStruct((N, K), jnp.float32),
        jax.ShapeDtypeStruct((K, E), jnp.float32),
        jax.ShapeDtypeStruct((1, 1), jnp.float32),
        jax.ShapeDtypeStruct((1, 1), jnp.float32),
    ],
    scratch_shapes=[
        pltpu.VMEM((1, K), jnp.float32),
        pltpu.VMEM((1, K), jnp.float32),
        pltpu.SMEM((1,), jnp.float32),
    ],
)


def _sc_body(cbt_hbm, idx_hbm, out_hbm, idx_v, q_v, sem):
    wid = lax.axis_index("s") * NC + lax.axis_index("c")
    base = wid * ROWS
    pltpu.sync_copy(idx_hbm.at[pl.ds(base, ROWS)], idx_v)
    pltpu.async_copy(cbt_hbm.at[idx_v], q_v, sem).wait()
    pltpu.sync_copy(q_v, out_hbm.at[pl.ds(base, ROWS)])


@functools.cache
def _sc_call():
    return functools.partial(
        pl.kernel,
        out_type=jax.ShapeDtypeStruct((N, E), jnp.float32),
        mesh=plsc.VectorSubcoreMesh(core_axis_name="c",
                                    subcore_axis_name="s"),
        scratch_types=[
            pltpu.VMEM((ROWS,), jnp.int32),
            pltpu.VMEM((ROWS, E), jnp.float32),
            pltpu.SemaphoreType.DMA,
        ],
    )(_sc_body)


def kernel(states, next_states, W_s, b_s, W_p, b_p, codebook):
    s2 = states.reshape(N, D)
    ns2 = next_states.reshape(N, D)
    idx3, enc, cbt, loss, perp = _tc_call(
        s2, ns2, W_s, b_s.reshape(1, E), W_p, b_p.reshape(1, E), codebook,
        codebook)
    idx = idx3.reshape(N)
    qst = _sc_call()(cbt, idx)
    return (qst.reshape(B, T, E), loss[0, 0], perp[0, 0], enc,
            idx.reshape(B, T))

# --- scband reference (transcript-rebuilt; emitter-appended) ---
"""Pipeline reference for scband-latent-action-idm-13048110645380 (READ-ONLY COPY).

The authoritative reference and input builder live on the scoring server;
editing this copy changes nothing except your own understanding.
"""

import jax, jax.numpy as jnp
import numpy as np

B, T, D = 32, 128, 512
E_DIM = 256
K = 8192
COMMIT = 0.25


def setup_inputs(seed: int = 0) -> dict:
    key = jax.random.key(seed)
    ks = jax.random.split(key, 8)
    states = jax.random.normal(ks[0], (B, T, D), dtype=jnp.float32)
    next_states = jax.random.normal(ks[1], (B, T, D), dtype=jnp.float32)
    W_s = jax.random.normal(ks[2], (D, E_DIM), dtype=jnp.float32) * (2.0 / D) ** 0.5
    b_s = jnp.zeros((E_DIM,), dtype=jnp.float32)
    W_p = jax.random.normal(ks[3], (2 * E_DIM, E_DIM), dtype=jnp.float32) * (2.0 / (2 * E_DIM)) ** 0.5
    b_p = jnp.zeros((E_DIM,), dtype=jnp.float32)
    codebook = jax.random.normal(ks[4], (E_DIM, K), dtype=jnp.float32)
    return {"states": states, "next_states": next_states, "W_s": W_s, "b_s": b_s, "W_p": W_p, "b_p": b_p, "codebook": codebook}


def reference(states, next_states, W_s, b_s, W_p, b_p, codebook):
    # state_embed is shared between states and next_states (same hk.Linear)
    state_embed = states @ W_s + b_s
    next_state_embed = next_states @ W_s + b_s
    policy_input = jnp.concatenate([state_embed, next_state_embed], axis=-1)
    policy_input = jax.nn.gelu(policy_input)
    # policy_head: Linear projecting to embedding_dim (latent action space)
    latent_actions = policy_input @ W_p + b_p
    # hk.nets.VectorQuantizerEMA forward (is_training only affects EMA state, not outputs)
    flat = latent_actions.reshape(-1, E_DIM)
    distances = (
        jnp.sum(flat ** 2, axis=1, keepdims=True)
        - 2.0 * flat @ codebook
        + jnp.sum(codebook ** 2, axis=0, keepdims=True)
    )
    encoding_indices_flat = jnp.argmin(distances, axis=1)
    encodings = jax.nn.one_hot(encoding_indices_flat, K, dtype=flat.dtype)
    quantize = jnp.take(codebook.T, encoding_indices_flat, axis=0).reshape(latent_actions.shape)
    e_latent_loss = jnp.mean((jax.lax.stop_gradient(quantize) - latent_actions) ** 2)
    loss = COMMIT * e_latent_loss
    # straight-through estimator
    quantize_st = latent_actions + jax.lax.stop_gradient(quantize - latent_actions)
    avg_probs = jnp.mean(encodings, axis=0)
    perplexity = jnp.exp(-jnp.sum(avg_probs * jnp.log(avg_probs + 1e-10)))
    encoding_indices = encoding_indices_flat.reshape(latent_actions.shape[:-1])
    # LAMOutputs(z_e=encodings, z_q=quantize, codebook_loss=loss, encoding_indices=...)
    return quantize_st, loss, perplexity, encodings, encoding_indices

if __name__ == "__main__":
    import jax
    _d = setup_inputs()
    print(jax.jit(kernel)(*tuple(_d.values())))

</pallas_src>

<mosaic_0001>
#map = affine_map<(d0, d1) -> (0, 0)>
#map1 = affine_map<(d0, d1) -> (0)>
module attributes {stable_mosaic.version = 14 : i64} {
  func.func @_sc_body(%arg0: i32, %arg1: i32, %arg2: memref<8192x256xf32, #tpu.memory_space<hbm>>, %arg3: memref<4096xi32, #tpu.memory_space<hbm>>, %arg4: memref<4096x256xf32, #tpu.memory_space<hbm>>, %arg5: memref<128xi32, #tpu.memory_space<vmem>>, %arg6: memref<128x256xf32, #tpu.memory_space<vmem>>, %arg7: memref<!tpu.dma_semaphore, #tpu.memory_space<semaphore_mem>>) attributes {dimension_semantics = [#tpu.dimension_semantics<core_parallel>, #tpu.dimension_semantics<subcore_parallel>], iteration_bounds = array<i64: 2, 16>, scalar_prefetch = 0 : i64, scratch_operands = 3 : i64, tpu.core_type = #tpu.core_type<sc_vector_subcore>, window_params = [{transform_indices = #map}, {transform_indices = #map1}, {transform_indices = #map}]} {
    %mul3A = arith.constant 2 : i32
    %mul3A_0 = arith.muli %arg1, %mul3A : i32
    %add3A = arith.addi %mul3A_0, %arg0 : i32
    %mul3A_1 = arith.constant 128 : i32
    %mul3A_2 = arith.muli %add3A, %mul3A_1 : i32
    "tpu.region"() ({
      %run_scoped3A = tpu.sem_alloc : memref<!tpu.dma_semaphore, #tpu.memory_space<semaphore_mem>>
      %dma_start3A_7 = tpu.memref_slice %arg3[%mul3A_2] : memref<4096xi32, #tpu.memory_space<hbm>> -> memref<128xi32, #tpu.memory_space<hbm>>
      %dma_start3A_8 = tpu.memref_slice %arg3[%mul3A_2] : memref<4096xi32, #tpu.memory_space<hbm>> -> memref<128xi32, #tpu.memory_space<hbm>>
      tpu.enqueue_dma source(%dma_start3A_8 : memref<128xi32, #tpu.memory_space<hbm>>) target(%arg5 : memref<128xi32, #tpu.memory_space<vmem>>) target_semaphore(%run_scoped3A : memref<!tpu.dma_semaphore, #tpu.memory_space<semaphore_mem>>)
      %dma_wait3A_9 = tpu.memref_slice %arg3[%mul3A_2] : memref<4096xi32, #tpu.memory_space<hbm>> -> memref<128xi32, #tpu.memory_space<hbm>>
      %dma_wait3A_10 = tpu.memref_slice %arg3[%mul3A_2] : memref<4096xi32, #tpu.memory_space<hbm>> -> memref<128xi32, #tpu.memory_space<hbm>>
      tpu.wait_dma2 semaphore(%run_scoped3A : memref<!tpu.dma_semaphore, #tpu.memory_space<semaphore_mem>>) src(%dma_wait3A_10 : memref<128xi32, #tpu.memory_space<hbm>>) dst(%arg5 : memref<128xi32, #tpu.memory_space<vmem>>)
      tpu.yield
    }) : () -> ()
    %dma_start3A = arith.constant 0 : i32
    %dma_start3A_3 = arith.constant 0 : i32
    %dma_start3A_4 = tpu.memref_slice %arg2[%dma_start3A, %dma_start3A_3] : memref<8192x256xf32, #tpu.memory_space<hbm>> -> memref<8192x256xf32, #tpu.memory_space<hbm>>
    tpu.enqueue_indirect_dma source(%dma_start3A_4 : memref<8192x256xf32, #tpu.memory_space<hbm>>) target(%arg6 : memref<128x256xf32, #tpu.memory_space<vmem>>) offsets(%arg5 : memref<128xi32, #tpu.memory_space<vmem>>) semaphore(%arg7 : memref<!tpu.dma_semaphore, #tpu.memory_space<semaphore_mem>>)
    %dma_wait3A = arith.constant 0 : i32
    %dma_wait3A_5 = arith.constant 0 : i32
    %dma_wait3A_6 = tpu.memref_slice %arg2[%dma_wait3A, %dma_wait3A_5] : memref<8192x256xf32, #tpu.memory_space<hbm>> -> memref<8192x256xf32, #tpu.memory_space<hbm>>
    tpu.wait_indirect_dma semaphore(%arg7 : memref<!tpu.dma_semaphore, #tpu.memory_space<semaphore_mem>>) src(%dma_wait3A_6 : memref<8192x256xf32, #tpu.memory_space<hbm>>) dst(%arg6 : memref<128x256xf32, #tpu.memory_space<vmem>>)
    "tpu.region"() ({
      %run_scoped3A = tpu.sem_alloc : memref<!tpu.dma_semaphore, #tpu.memory_space<semaphore_mem>>
      %dma_start3A_7 = arith.constant 0 : i32
      %dma_start3A_8 = tpu.memref_slice %arg4[%mul3A_2, %dma_start3A_7] : memref<4096x256xf32, #tpu.memory_space<hbm>> -> memref<128x256xf32, #tpu.memory_space<hbm>>
      %dma_start3A_9 = arith.constant 0 : i32
      %dma_start3A_10 = tpu.memref_slice %arg4[%mul3A_2, %dma_start3A_9] : memref<4096x256xf32, #tpu.memory_space<hbm>> -> memref<128x256xf32, #tpu.memory_space<hbm>>
      tpu.enqueue_dma source(%arg6 : memref<128x256xf32, #tpu.memory_space<vmem>>) target(%dma_start3A_10 : memref<128x256xf32, #tpu.memory_space<hbm>>) target_semaphore(%run_scoped3A : memref<!tpu.dma_semaphore, #tpu.memory_space<semaphore_mem>>)
      %dma_wait3A_11 = arith.constant 0 : i32
      %dma_wait3A_12 = tpu.memref_slice %arg4[%mul3A_2, %dma_wait3A_11] : memref<4096x256xf32, #tpu.memory_space<hbm>> -> memref<128x256xf32, #tpu.memory_space<hbm>>
      %dma_wait3A_13 = arith.constant 0 : i32
      %dma_wait3A_14 = tpu.memref_slice %arg4[%mul3A_2, %dma_wait3A_13] : memref<4096x256xf32, #tpu.memory_space<hbm>> -> memref<128x256xf32, #tpu.memory_space<hbm>>
      tpu.wait_dma2 semaphore(%run_scoped3A : memref<!tpu.dma_semaphore, #tpu.memory_space<semaphore_mem>>) src(%arg6 : memref<128x256xf32, #tpu.memory_space<vmem>>) dst(%dma_wait3A_14 : memref<128x256xf32, #tpu.memory_space<hbm>>)
      tpu.yield
    }) : () -> ()
    return
  }
}

module attributes {stable_mosaic.version = 14 : i64} {
  func.func @_tc_body(%arg0: i32, %arg1: memref<256x512xf32, #tpu.memory_space<vmem>>, %arg2: memref<256x512xf32, #tpu.memory_space<vmem>>, %arg3: memref<512x256xf32, #tpu.memory_space<vmem>>, %arg4: memref<1x256xf32, #tpu.memory_space<vmem>>, %arg5: memref<512x256xf32, #tpu.memory_space<vmem>>, %arg6: memref<1x256xf32, #tpu.memory_space<vmem>>, %arg7: memref<256x8192xf32, #tpu.memory_space<vmem>>, %arg8: memref<256x512xf32, #tpu.memory_space<vmem>>, %arg9: memref<1x1x256xi32, #tpu.memory_space<vmem>>, %arg10: memref<256x8192xf32, #tpu.memory_space<vmem>>, %arg11: memref<512x256xf32, #tpu.memory_space<vmem>>, %arg12: memref<1x1xf32, #tpu.memory_space<vmem>>, %arg13: memref<1x1xf32, #tpu.memory_space<vmem>>, %arg14: memref<1x8192xf32, #tpu.memory_space<vmem>>, %arg15: memref<1x8192xf32, #tpu.memory_space<vmem>>, %arg16: memref<1xf32, #tpu.memory_space<smem>>) attributes {dimension_semantics = [#tpu.dimension_semantics<arbitrary>], iteration_bounds = array<i64: 16>, scalar_prefetch = 0 : i64, scratch_operands = 3 : i64, tpu.core_type = #tpu.core_type<tc>, window_params = [{transform_indices = @transform_0, window_bounds = array<i64: 256, 512>}, {transform_indices = @transform_1, window_bounds = array<i64: 256, 512>}, {pipeline_mode = #tpu.pipeline_mode<synchronous>, transform_indices = @transform_2, window_bounds = array<i64: 512, 256>}, {pipeline_mode = #tpu.pipeline_mode<synchronous>, transform_indices = @transform_3, window_bounds = array<i64: 1, 256>}, {pipeline_mode = #tpu.pipeline_mode<synchronous>, transform_indices = @transform_4, window_bounds = array<i64: 512, 256>}, {pipeline_mode = #tpu.pipeline_mode<synchronous>, transform_indices = @transform_5, window_bounds = array<i64: 1, 256>}, {pipeline_mode = #tpu.pipeline_mode<synchronous>, transform_indices = @transform_6, window_bounds = array<i64: 256, 8192>}, {transform_indices = @transform_7, window_bounds = array<i64: 256, 512>}, {transform_indices = @transform_8, window_bounds = array<i64: 1, 1, 256>}, {transform_indices = @transform_9, window_bounds = array<i64: 256, 8192>}, {transform_indices = @transform_10, window_bounds = array<i64: 512, 256>}, {pipeline_mode = #tpu.pipeline_mode<synchronous>, transform_indices = @transform_11, window_bounds = array<i64: 1, 1>}, {pipeline_mode = #tpu.pipeline_mode<synchronous>, transform_indices = @transform_12, window_bounds = array<i64: 1, 1>}]} {
    %eq3A = arith.constant 0 : i32
    %eq3A_0 = arith.cmpi eq, %arg0, %eq3A : i32
    %convert_element_type3A = arith.extui %eq3A_0 : i1 to i32
    %cond3A = arith.constant 0 : i32
    %cond3A_1 = arith.cmpi ne, %convert_element_type3A, %cond3A : i32
    scf.if %cond3A_1 {
      %get3A_110 = arith.constant 0 : index
      %get3A_111 = arith.constant 0 : index
      %get3A_112 = vector.load %arg7[%get3A_110, %get3A_111] : memref<256x8192xf32, #tpu.memory_space<vmem>>, vector<256x8192xf32>
      %get3A_113 = arith.constant 0 : index
      %get3A_114 = arith.constant 0 : index
      %get3A_115 = vector.load %arg7[%get3A_113, %get3A_114] : memref<256x8192xf32, #tpu.memory_space<vmem>>, vector<256x8192xf32>
      %mul3A_116 = arith.mulf %get3A_112, %get3A_115 : vector<256x8192xf32>
      %reduce_sum3A_117 = arith.constant dense<0.000000e+00> : vector<8192xf32>
      %reduce_sum3A_118 = vector.multi_reduction <add>, %mul3A_116, %reduce_sum3A_117 [0] : vector<256x8192xf32> to vector<8192xf32>
      %broadcast_in_dim3A_119 = vector.shape_cast %reduce_sum3A_118 : vector<8192xf32> to vector<1x8192xf32>
      %swap3A_120 = arith.constant 0 : index
      %swap3A_121 = arith.constant 0 : index
      %swap3A_122 = vector.load %arg14[%swap3A_120, %swap3A_121] : memref<1x8192xf32, #tpu.memory_space<vmem>>, vector<1x8192xf32>
      tpu.vector_store %arg14[%swap3A_120, %swap3A_121], %broadcast_in_dim3A_119 {strides = array<i32>} : memref<1x8192xf32, #tpu.memory_space<vmem>>, vector<1x8192xf32>,
      %broadcast_in_dim3A_123 = arith.constant 0.000000e+00 : f32
      %broadcast_in_dim3A_124 = vector.broadcast %broadcast_in_dim3A_123 : f32 to vector<1x8192xf32>
      %swap3A_125 = arith.constant 0 : index
      %swap3A_126 = arith.constant 0 : index
      %swap3A_127 = vector.load %arg15[%swap3A_125, %swap3A_126] : memref<1x8192xf32, #tpu.memory_space<vmem>>, vector<1x8192xf32>
      tpu.vector_store %arg15[%swap3A_125, %swap3A_126], %broadcast_in_dim3A_124 {strides = array<i32>} : memref<1x8192xf32, #tpu.memory_space<vmem>>, vector<1x8192xf32>,
      %swap3A_128 = arith.constant 0.000000e+00 : f32
      %swap3A_129 = arith.constant 0 : index
      %swap3A_130 = memref.load %arg16[%swap3A_129] : memref<1xf32, #tpu.memory_space<smem>>
      memref.store %swap3A_128, %arg16[%swap3A_129] : memref<1xf32, #tpu.memory_space<smem>>
    } else {
    }
    %get3A = arith.constant 0 : index
    %get3A_2 = arith.constant 0 : index
    %get3A_3 = vector.load %arg8[%get3A, %get3A_2] : memref<256x512xf32, #tpu.memory_space<vmem>>, vector<256x512xf32>
    %transpose3A = tpu.transpose %get3A_3, [1, 0] : vector<256x512xf32> -> vector<512x256xf32>
    %swap3A = arith.constant 0 : index
    %swap3A_4 = arith.constant 0 : index
    %swap3A_5 = vector.load %arg11[%swap3A, %swap3A_4] : memref<512x256xf32, #tpu.memory_space<vmem>>, vector<512x256xf32>
    tpu.vector_store %arg11[%swap3A, %swap3A_4], %transpose3A {strides = array<i32>} : memref<512x256xf32, #tpu.memory_space<vmem>>, vector<512x256xf32>,
    %get3A_6 = arith.constant 0 : index
    %get3A_7 = arith.constant 0 : index
    %get3A_8 = vector.load %arg1[%get3A_6, %get3A_7] : memref<256x512xf32, #tpu.memory_space<vmem>>, vector<256x512xf32>
    %get3A_9 = arith.constant 0 : index
    %get3A_10 = arith.constant 0 : index
    %get3A_11 = vector.load %arg3[%get3A_9, %get3A_10] : memref<512x256xf32, #tpu.memory_space<vmem>>, vector<512x256xf32>
    %dot_general3A = arith.constant dense<0.000000e+00> : vector<256x256xf32>
    %dot_general3A_12 = tpu.matmul %get3A_8, %get3A_11, %dot_general3A {dimension_numbers = #tpu.dot_dimension_numbers<[1], [0], [0], [1], [0, 0, 1, 1], [], []>, transpose_lhs_hint = false} : vector<256x512xf32>, vector<512x256xf32>, vector<256x256xf32> -> vector<256x256xf32>
    %get3A_13 = arith.constant 0 : index
    %get3A_14 = arith.constant 0 : index
    %get3A_15 = vector.load %arg4[%get3A_13, %get3A_14] : memref<1x256xf32, #tpu.memory_space<vmem>>, vector<1x256xf32>
    %add3A = vector.broadcast %get3A_15 : vector<1x256xf32> to vector<256x256xf32>
    %add3A_16 = arith.addf %dot_general3A_12, %add3A : vector<256x256xf32>
    %get3A_17 = arith.constant 0 : index
    %get3A_18 = arith.constant 0 : index
    %get3A_19 = vector.load %arg2[%get3A_17, %get3A_18] : memref<256x512xf32, #tpu.memory_space<vmem>>, vector<256x512xf32>
    %get3A_20 = arith.constant 0 : index
    %get3A_21 = arith.constant 0 : index
    %get3A_22 = vector.load %arg3[%get3A_20, %get3A_21] : memref<512x256xf32, #tpu.memory_space<vmem>>, vector<512x256xf32>
    %dot_general3A_23 = arith.constant dense<0.000000e+00> : vector<256x256xf32>
    %dot_general3A_24 = tpu.matmul %get3A_19, %get3A_22, %dot_general3A_23 {dimension_numbers = #tpu.dot_dimension_numbers<[1], [0], [0], [1], [0, 0, 1, 1], [], []>, transpose_lhs_hint = false} : vector<256x512xf32>, vector<512x256xf32>, vector<256x256xf32> -> vector<256x256xf32>
    %get3A_25 = arith.constant 0 : index
    %get3A_26 = arith.constant 0 : index
    %get3A_27 = vector.load %arg4[%get3A_25, %get3A_26] : memref<1x256xf32, #tpu.memory_space<vmem>>, vector<1x256xf32>
    %add3A_28 = vector.broadcast %get3A_27 : vector<1x256xf32> to vector<256x256xf32>
    %add3A_29 = arith.addf %dot_general3A_24, %add3A_28 : vector<256x256xf32>
    %concatenate3A = tpu.concatenate %add3A_16, %add3A_29 in 1 : vector<256x256xf32>, vector<256x256xf32> -> vector<256x512xf32>
    %integer_pow3A = arith.mulf %concatenate3A, %concatenate3A : vector<256x512xf32>
    %integer_pow3A_30 = arith.mulf %concatenate3A, %integer_pow3A : vector<256x512xf32>
    %mul3A = arith.constant 4.471500e-02 : f32
    %mul3A_31 = vector.broadcast %mul3A : f32 to vector<256x512xf32>
    %mul3A_32 = arith.mulf %mul3A_31, %integer_pow3A_30 : vector<256x512xf32>
    %add3A_33 = arith.addf %concatenate3A, %mul3A_32 : vector<256x512xf32>
    %mul3A_34 = arith.constant 0.797884583 : f32
    %mul3A_35 = vector.broadcast %mul3A_34 : f32 to vector<256x512xf32>
    %mul3A_36 = arith.mulf %mul3A_35, %add3A_33 : vector<256x512xf32>
    %tanh3A = math.tanh %mul3A_36 : vector<256x512xf32>
    %add3A_37 = arith.constant 1.000000e+00 : f32
    %add3A_38 = vector.broadcast %add3A_37 : f32 to vector<256x512xf32>
    %add3A_39 = arith.addf %add3A_38, %tanh3A : vector<256x512xf32>
    %mul3A_40 = arith.constant 5.000000e-01 : f32
    %mul3A_41 = vector.broadcast %mul3A_40 : f32 to vector<256x512xf32>
    %mul3A_42 = arith.mulf %mul3A_41, %add3A_39 : vector<256x512xf32>
    %mul3A_43 = arith.mulf %concatenate3A, %mul3A_42 : vector<256x512xf32>
    %get3A_44 = arith.constant 0 : index
    %get3A_45 = arith.constant 0 : index
    %get3A_46 = vector.load %arg5[%get3A_44, %get3A_45] : memref<512x256xf32, #tpu.memory_space<vmem>>, vector<512x256xf32>
    %dot_general3A_47 = arith.constant dense<0.000000e+00> : vector<256x256xf32>
    %dot_general3A_48 = tpu.matmul %mul3A_43, %get3A_46, %dot_general3A_47 {dimension_numbers = #tpu.dot_dimension_numbers<[1], [0], [0], [1], [0, 0, 1, 1], [], []>, transpose_lhs_hint = false} : vector<256x512xf32>, vector<512x256xf32>, vector<256x256xf32> -> vector<256x256xf32>
    %get3A_49 = arith.constant 0 : index
    %get3A_50 = arith.constant 0 : index
    %get3A_51 = vector.load %arg6[%get3A_49, %get3A_50] : memref<1x256xf32, #tpu.memory_space<vmem>>, vector<1x256xf32>
    %add3A_52 = vector.broadcast %get3A_51 : vector<1x256xf32> to vector<256x256xf32>
    %add3A_53 = arith.addf %dot_general3A_48, %add3A_52 : vector<256x256xf32>
    %mul3A_54 = arith.mulf %add3A_53, %add3A_53 : vector<256x256xf32>
    %reduce_sum3A = arith.constant dense<0.000000e+00> : vector<256xf32>
    %reduce_sum3A_55 = vector.multi_reduction <add>, %mul3A_54, %reduce_sum3A [1] : vector<256x256xf32> to vector<256xf32>
    %broadcast_in_dim3A = vector.shape_cast %reduce_sum3A_55 : vector<256xf32> to vector<256x1xf32>
    %mul3A_56 = arith.constant 2.000000e+00 : f32
    %mul3A_57 = vector.broadcast %mul3A_56 : f32 to vector<256x256xf32>
    %mul3A_58 = arith.mulf %mul3A_57, %add3A_53 : vector<256x256xf32>
    %get3A_59 = arith.constant 0 : index
    %get3A_60 = arith.constant 0 : index
    %get3A_61 = vector.load %arg7[%get3A_59, %get3A_60] : memref<256x8192xf32, #tpu.memory_space<vmem>>, vector<256x8192xf32>
    %dot_general3A_62 = arith.constant dense<0.000000e+00> : vector<256x8192xf32>
    %dot_general3A_63 = tpu.matmul %mul3A_58, %get3A_61, %dot_general3A_62 {dimension_numbers = #tpu.dot_dimension_numbers<[1], [0], [0], [1], [0, 0, 1, 1], [], []>, transpose_lhs_hint = false} : vector<256x256xf32>, vector<256x8192xf32>, vector<256x8192xf32> -> vector<256x8192xf32>
    %sub3A = vector.broadcast %broadcast_in_dim3A : vector<256x1xf32> to vector<256x8192xf32>
    %sub3A_64 = arith.subf %sub3A, %dot_general3A_63 : vector<256x8192xf32>
    %get3A_65 = arith.constant 0 : index
    %get3A_66 = arith.constant 0 : index
    %get3A_67 = vector.load %arg14[%get3A_65, %get3A_66] : memref<1x8192xf32, #tpu.memory_space<vmem>>, vector<1x8192xf32>
    %add3A_68 = vector.broadcast %get3A_67 : vector<1x8192xf32> to vector<256x8192xf32>
    %add3A_69 = arith.addf %sub3A_64, %add3A_68 : vector<256x8192xf32>
    %argmin3A = tpu.reduce_index %add3A_69 {axis = 1 : i32, kind = #tpu.reduction_kind<arg_min>} : vector<256x8192xf32> -> vector<256xi32>
    %swap3A_70 = arith.constant 0 : index
    %swap3A_71 = arith.constant 0 : index
    %swap3A_72 = arith.constant 0 : index
    %swap3A_73 = vector.load %arg9[%swap3A_70, %swap3A_71, %swap3A_72] : memref<1x1x256xi32, #tpu.memory_space<vmem>>, vector<1x1x256xi32>
    %swap3A_74 = vector.shape_cast %swap3A_73 : vector<1x1x256xi32> to vector<256xi32>
    %swap3A_75 = vector.shape_cast %argmin3A : vector<256xi32> to vector<1x1x256xi32>
    tpu.vector_store %arg9[%swap3A_70, %swap3A_71, %swap3A_72], %swap3A_75 {strides = array<i32>} : memref<1x1x256xi32, #tpu.memory_space<vmem>>, vector<1x1x256xi32>,
    %iota3A = tpu.iota {dimensions = array<i32: 1>} : vector<256x8192xi32>
    %broadcast_in_dim3A_76 = vector.shape_cast %argmin3A : vector<256xi32> to vector<256x1xi32>
    %eq3A_77 = vector.broadcast %broadcast_in_dim3A_76 : vector<256x1xi32> to vector<256x8192xi32>
    %eq3A_78 = arith.cmpi eq, %iota3A, %eq3A_77 : vector<256x8192xi32>
    %convert_element_type3A_79 = arith.extui %eq3A_78 : vector<256x8192xi1> to vector<256x8192xi32>
    %convert_element_type3A_80 = arith.sitofp %convert_element_type3A_79 : vector<256x8192xi32> to vector<256x8192xf32>
    %swap3A_81 = arith.constant 0 : index
    %swap3A_82 = arith.constant 0 : index
    %swap3A_83 = vector.load %arg10[%swap3A_81, %swap3A_82] : memref<256x8192xf32, #tpu.memory_space<vmem>>, vector<256x8192xf32>
    tpu.vector_store %arg10[%swap3A_81, %swap3A_82], %convert_element_type3A_80 {strides = array<i32>} : memref<256x8192xf32, #tpu.memory_space<vmem>>, vector<256x8192xf32>,
    %get3A_84 = arith.constant 0 : index
    %get3A_85 = arith.constant 0 : index
    %get3A_86 = vector.load %arg15[%get3A_84, %get3A_85] : memref<1x8192xf32, #tpu.memory_space<vmem>>, vector<1x8192xf32>
    %reduce_sum3A_87 = arith.constant dense<0.000000e+00> : vector<8192xf32>
    %reduce_sum3A_88 = vector.multi_reduction <add>, %convert_element_type3A_80, %reduce_sum3A_87 [0] : vector<256x8192xf32> to vector<8192xf32>
    %broadcast_in_dim3A_89 = vector.shape_cast %reduce_sum3A_88 : vector<8192xf32> to vector<1x8192xf32>
    %add3A_90 = arith.addf %get3A_86, %broadcast_in_dim3A_89 : vector<1x8192xf32>
    %swap3A_91 = arith.constant 0 : index
    %swap3A_92 = arith.constant 0 : index
    %swap3A_93 = vector.load %arg15[%swap3A_91, %swap3A_92] : memref<1x8192xf32, #tpu.memory_space<vmem>>, vector<1x8192xf32>
    tpu.vector_store %arg15[%swap3A_91, %swap3A_92], %add3A_90 {strides = array<i32>} : memref<1x8192xf32, #tpu.memory_space<vmem>>, vector<1x8192xf32>,
    %get3A_94 = arith.constant 0 : index
    %get3A_95 = memref.load %arg16[%get3A_94] : memref<1xf32, #tpu.memory_space<smem>>
    %reduce_min3A = arith.constant dense<0x7F800000> : vector<256xf32>
    %reduce_min3A_96 = vector.multi_reduction <minimumf>, %add3A_69, %reduce_min3A [1] : vector<256x8192xf32> to vector<256xf32>
    %reduce_sum3A_97 = vector.shape_cast %reduce_min3A_96 : vector<256xf32> to vector<1x256xf32>
    %reduce_sum3A_98 = arith.constant dense<0.000000e+00> : vector<1xf32>
    %reduce_sum3A_99 = vector.multi_reduction <add>, %reduce_sum3A_97, %reduce_sum3A_98 [1] : vector<1x256xf32> to vector<1xf32>
    %reduce_sum3A_100 = vector.shape_cast %reduce_sum3A_99 : vector<1xf32> to vector<1x1xf32>
    %reduce_sum3A_101 = vector.extract %reduce_sum3A_100[0, 0] : f32 from vector<1x1xf32>
    %add3A_102 = arith.addf %get3A_95, %reduce_sum3A_101 : f32
    %swap3A_103 = arith.constant 0 : index
    %swap3A_104 = memref.load %arg16[%swap3A_103] : memref<1xf32, #tpu.memory_space<smem>>
    memref.store %add3A_102, %arg16[%swap3A_103] : memref<1xf32, #tpu.memory_space<smem>>
    %eq3A_105 = arith.constant 15 : i32
    %eq3A_106 = arith.cmpi eq, %arg0, %eq3A_105 : i32
    %convert_element_type3A_107 = arith.extui %eq3A_106 : i1 to i32
    %cond3A_108 = arith.constant 0 : i32
    %cond3A_109 = arith.cmpi ne, %convert_element_type3A_107, %cond3A_108 : i32
    scf.if %cond3A_109 {
      %get3A_110 = arith.constant 0 : index
      %get3A_111 = memref.load %arg16[%get3A_110] : memref<1xf32, #tpu.memory_space<smem>>
      %mul3A_112 = arith.constant 2.38418579E-7 : f32
      %mul3A_113 = arith.mulf %mul3A_112, %get3A_111 : f32
      %broadcast_in_dim3A_114 = vector.broadcast %mul3A_113 : f32 to vector<1x1xf32>
      %swap3A_115 = arith.constant 0 : index
      %swap3A_116 = arith.constant 0 : index
      %swap3A_117 = vector.load %arg12[%swap3A_115, %swap3A_116] : memref<1x1xf32, #tpu.memory_space<vmem>>, vector<1x1xf32>
      tpu.vector_store %arg12[%swap3A_115, %swap3A_116], %broadcast_in_dim3A_114 {strides = array<i32>} : memref<1x1xf32, #tpu.memory_space<vmem>>, vector<1x1xf32>,
      %get3A_118 = arith.constant 0 : index
      %get3A_119 = arith.constant 0 : index
      %get3A_120 = vector.load %arg15[%get3A_118, %get3A_119] : memref<1x8192xf32, #tpu.memory_space<vmem>>, vector<1x8192xf32>
      %mul3A_121 = arith.constant 2.44140625E-4 : f32
      %mul3A_122 = vector.broadcast %mul3A_121 : f32 to vector<1x8192xf32>
      %mul3A_123 = arith.mulf %get3A_120, %mul3A_122 : vector<1x8192xf32>
      %add3A_124 = arith.constant 1.000000e-10 : f32
      %add3A_125 = vector.broadcast %add3A_124 : f32 to vector<1x8192xf32>
      %add3A_126 = arith.addf %mul3A_123, %add3A_125 : vector<1x8192xf32>
      %log3A = math.log %add3A_126 : vector<1x8192xf32>
      %mul3A_127 = arith.mulf %mul3A_123, %log3A : vector<1x8192xf32>
      %reduce_sum3A_128 = vector.shape_cast %mul3A_127 : vector<1x8192xf32> to vector<1x1x8192xf32>
      %reduce_sum3A_129 = arith.constant dense<0.000000e+00> : vector<1xf32>
      %reduce_sum3A_130 = vector.multi_reduction <add>, %reduce_sum3A_128, %reduce_sum3A_129 [1, 2] : vector<1x1x8192xf32> to vector<1xf32>
      %reduce_sum3A_131 = vector.shape_cast %reduce_sum3A_130 : vector<1xf32> to vector<1x1x1xf32>
      %reduce_sum3A_132 = vector.extract %reduce_sum3A_131[0, 0, 0] : f32 from vector<1x1x1xf32>
      %neg3A = arith.constant 0.000000e+00 : f32
      %neg3A_133 = arith.subf %neg3A, %reduce_sum3A_132 : f32
      %exp3A = math.exp %neg3A_133 : f32
      %broadcast_in_dim3A_134 = vector.broadcast %exp3A : f32 to vector<1x1xf32>
      %swap3A_135 = arith.constant 0 : index
      %swap3A_136 = arith.constant 0 : index
      %swap3A_137 = vector.load %arg13[%swap3A_135, %swap3A_136] : memref<1x1xf32, #tpu.memory_space<vmem>>, vector<1x1xf32>
      tpu.vector_store %arg13[%swap3A_135, %swap3A_136], %broadcast_in_dim3A_134 {strides = array<i32>} : memref<1x1xf32, #tpu.memory_space<vmem>>, vector<1x1xf32>,
    } else {
    }
    return
  }
  func.func @transform_0(%arg0: i32) -> (i32, i32) {
    %c0_i32 = arith.constant 0 : i32
    %c0_i32_0 = arith.constant 0 : i32
    return %arg0, %c0_i32 : i32, i32
  }
  func.func @transform_1(%arg0: i32) -> (i32, i32) {
    %c0_i32 = arith.constant 0 : i32
    %c0_i32_0 = arith.constant 0 : i32
    return %arg0, %c0_i32 : i32, i32
  }
  func.func @transform_2(%arg0: i32) -> (i32, i32) {
    %c0_i32 = arith.constant 0 : i32
    %c0_i32_0 = arith.constant 0 : i32
    %c0_i32_1 = arith.constant 0 : i32
    return %c0_i32, %c0_i32_0 : i32, i32
  }
  func.func @transform_3(%arg0: i32) -> (i32, i32) {
    %c0_i32 = arith.constant 0 : i32
    %c0_i32_0 = arith.constant 0 : i32
    %c0_i32_1 = arith.constant 0 : i32
    return %c0_i32, %c0_i32_0 : i32, i32
  }
  func.func @transform_4(%arg0: i32) -> (i32, i32) {
    %c0_i32 = arith.constant 0 : i32
    %c0_i32_0 = arith.constant 0 : i32
    %c0_i32_1 = arith.constant 0 : i32
    return %c0_i32, %c0_i32_0 : i32, i32
  }
  func.func @transform_5(%arg0: i32) -> (i32, i32) {
    %c0_i32 = arith.constant 0 : i32
    %c0_i32_0 = arith.constant 0 : i32
    %c0_i32_1 = arith.constant 0 : i32
    return %c0_i32, %c0_i32_0 : i32, i32
  }
  func.func @transform_6(%arg0: i32) -> (i32, i32) {
    %c0_i32 = arith.constant 0 : i32
    %c0_i32_0 = arith.constant 0 : i32
    %c0_i32_1 = arith.constant 0 : i32
    return %c0_i32, %c0_i32_0 : i32, i32
  }
  func.func @transform_7(%arg0: i32) -> (i32, i32) {
    %c0_i32 = arith.constant 0 : i32
    %c0_i32_0 = arith.constant 0 : i32
    return %c0_i32, %arg0 : i32, i32
  }
  func.func @transform_8(%arg0: i32) -> (i32, i32, i32) {
    %c0_i32 = arith.constant 0 : i32
    %c0_i32_0 = arith.constant 0 : i32
    %c0_i32_1 = arith.constant 0 : i32
    return %arg0, %c0_i32, %c0_i32_0 : i32, i32, i32
  }
  func.func @transform_9(%arg0: i32) -> (i32, i32) {
    %c0_i32 = arith.constant 0 : i32
    %c0_i32_0 = arith.constant 0 : i32
    return %arg0, %c0_i32 : i32, i32
  }
  func.func @transform_10(%arg0: i32) -> (i32, i32) {
    %c0_i32 = arith.constant 0 : i32
    %c0_i32_0 = arith.constant 0 : i32
    return %arg0, %c0_i32 : i32, i32
  }
  func.func @transform_11(%arg0: i32) -> (i32, i32) {
    %c0_i32 = arith.constant 0 : i32
    %c0_i32_0 = arith.constant 0 : i32
    %c0_i32_1 = arith.constant 0 : i32
    return %c0_i32, %c0_i32_0 : i32, i32
  }
  func.func @transform_12(%arg0: i32) -> (i32, i32) {
    %c0_i32 = arith.constant 0 : i32
    %c0_i32_0 = arith.constant 0 : i32
    %c0_i32_1 = arith.constant 0 : i32
    return %c0_i32, %c0_i32_0 : i32, i32
  }
}

</mosaic_0001>

<sc_bundles>
// kernel: kernel.4.cloned.1.call-start
scs
__scs_entry_jumppad:
0x0: {  	(pc) =	sbr.rel $0x88, $3  }
0x1: {  	(tag) =	ssettag $0x0;
	lr =	simm.s32 $0x1  }
0x2: {  	[smem:$0x3F9A] =	sst lr;
	_ =	strace $0xD0000000  }
0x3: {  	_ = 	snop  }
0x4: {  	_ = 	snop  }
0x5: {  	_ = 	snop  }
0x6: {  	_ = 	snop  }
0x7: {  	_ = 	snop  }
__scs_overlays_trampoline_lowered:
0x8: {  	[smem:$0x3FA9] =	sst s0  }
0x9: {  	[smem:$0x3FAA] =	sst s1  }
0xa: {  	[smem:$0x3FAB] =	sst s2  }
0xb: {  	[smem:$0x3FAC] =	sst s3  }
0xc: {  	[smem:$0x3FAD] =	sst s4  }
0xd: {  	[smem:$0x3FAE] =	sst s5  }
0xe: {  	[smem:$0x3FAF] =	sst s6  }
0xf: {  	[smem:$0x3FB0] =	sst s7  }
0x10: {  	[smem:$0x3FB1] =	sst s8  }
0x11: {  	[smem:$0x3FB2] =	sst s9;
	s0 =	simm.s32 @!p0 $0x0  }
0x12: {  	s1 =	sld [smem:$0x3F98];
	s0 =	simm.s32 @p0 $0x1  }
0x13: {  	[smem:$0x3FB3] =	sst s0;
	s0 =	simm.s32 @!p1 $0x0  }
0x14: {  	s2 =	sld [smem:$0x3F97];
	s0 =	simm.s32 @p1 $0x1  }
0x15: {  	[smem:$0x3FB4] =	sst s0;
	s0 =	simm.s32 @!p2 $0x0  }
0x16: {  	s3 =	sld [smem:$0x3FDB];
	s0 =	simm.s32 @p2 $0x1  }
0x17: {  	s4 =	simm.s32 $0x1BF5;
	[smem:$0x3FB6] =	sst s0  }
0x18: {  	s0 =	sld [smem:$0x3F99];
	_ =	swait.ge [sflag:s4], $0x0  }
0x19: {  	s7 =	sld [smem:$0x3F9A]  }
0x1a: {  	s8 =	sadd.s32 $0xFFFFE003, lr  }
0x1b: {  	s9 =	sadd.s32 $0xFFFFFEF7, lr;
	s5 =	simm.s32 $0xFFFFFFFF;
	p2 =	slt.u32 s8, $0xFFFFF086  }
0x1c: {  	p1 =	slt.u32 s9, $0xF7A;
	s5 =	simm.s32 @!p2 $0x0  }
0x1d: {  	s5 =	simm.s32 @p1 $0x1;
	p0 =	seq.s32 s7, s2  }
0x1e: {  	s7 =	smul.u32 @!p0 $0xF7A, s2;
	p2 =	seq.s32 @!p0 s5, $0x0  }
0x1f: {  	s9 =	smul.u32 $0xF7A, s1;
	s8 =	simm.s32 @!p0 $0x1BF5;
	p2 =	por !p2, p0  }
0x20: {  	[sflag:s8] =	ssyncset.s32 @!p0 $0xFFFFF086;
	s6 =	sadd.s32 @!p0 s3, s7;
	s7 =	simm.s32 @!p0 $0x108  }
0x21: {  	s3 =	sadd.s32 s3, s9;
	s6 =	sadd.s32 @!p0 $0x88, s6;
	s7 =	simm.s32 @p2 $0x1082  }
0x22: {  	[simem:s7], [sflag:s8] =	dma.local @!p0 [hbm:s6], $0xF7A  }
0x23: {  	s9 =	sor.u32 $0xD0000000, s2;
	s6 =	simm.s32 $0x108;
	_ =	swait.ge @!p0 [sflag:s8], $0x0  }
0x24: {  	s3 =	sadd.s32 $0x88, s3;
	s6 =	simm.s32 @!p1 $0x1082;
	[sflag:s4] =	ssyncset.s32 $0xFFFFF086  }
0x25: {  	[simem:s6], [sflag:s4] =	dma.local [hbm:s3], $0xF7A  }
0x26: {  	[smem:$0x3F9A] =	sst s1;
	(tag) =	ssettag s2;
	_ =	strace s9  }
0x27: {  	s1 =	sld [smem:$0x3FAA]  }
0x28: {  	s2 =	sld [smem:$0x3FAB]  }
0x29: {  	s4 =	sld [smem:$0x3FAD]  }
0x2a: {  	p0 =	seq.s32 s5, $0x0;
	s5 =	sld [smem:$0x3FAE]  }
0x2b: {  	s6 =	sld [smem:$0x3FAF]  }
0x2c: {  	s7 =	sld [smem:$0x3FB0]  }
0x2d: {  	s3 =	simm.s32 $0x108;
	s8 =	sld [smem:$0x3FB1]  }
0x2e: {  	s3 =	simm.s32 @!p0 $0x1082;
	s9 =	sld [smem:$0x3FB2]  }
0x2f: {  	lr =	sadd.s32 s0, s3;
	s0 =	sld [smem:$0x3FA9]  }
0x30: {  	s3 =	sld [smem:$0x3FAC]  }
0x31: {  	[smem:$0x3FB5] =	sst s10  }
0x32: {  	s10 =	sld [smem:$0x3FB3];
	_ =	sdelay $0x3  }
0x33: {  	p0 =	seq.s32 s10, $0x1;
	s10 =	sld [smem:$0x3FB5];
	_ =	sdelay $0x3  }
0x34: {  	[smem:$0x3FB5] =	sst s10  }
0x35: {  	s10 =	sld [smem:$0x3FB4];
	_ =	sdelay $0x3  }
0x36: {  	p1 =	seq.s32 s10, $0x1;
	s10 =	sld [smem:$0x3FB5];
	_ =	sdelay $0x3  }
0x37: {  	[smem:$0x3FB5] =	sst s10  }
0x38: {  	s10 =	sld [smem:$0x3FB6]  }
0x39: {  	_ = 	snop;
	(pc) =	sbr.ind lr, $3  }
0x3a: {  	_ = 	snop  }
0x3b: {  	_ = 	snop  }
0x3c: {  	p2 =	seq.s32 s10, $0x1;
	s10 =	sld [smem:$0x3FB5]  }
0x3d: {  	_ =	shalt  }
0x3e: {  	_ =	shalt  }
0x3f: {  	_ =	shalt  }
0x40: {  	_ =	shalt  }
0x41: {  	_ =	shalt  }
0x42: {  	_ =	shalt  }
0x43: {  	_ =	shalt  }
0x44: {  	_ =	shalt  }
0x45: {  	_ =	shalt  }
0x46: {  	_ =	shalt  }
0x47: {  	_ =	shalt  }
0x48: {  	_ =	shalt  }
0x49: {  	_ =	shalt  }
0x4a: {  	_ =	shalt  }
0x4b: {  	_ =	shalt  }
0x4c: {  	_ =	shalt  }
0x4d: {  	_ =	shalt  }
0x4e: {  	_ =	shalt  }
0x4f: {  	_ =	shalt  }
0x50: {  	_ =	shalt  }
0x51: {  	_ =	shalt  }
0x52: {  	_ =	shalt  }
0x53: {  	_ =	shalt  }
0x54: {  	_ =	shalt  }
0x55: {  	_ =	shalt  }
0x56: {  	_ =	shalt  }
0x57: {  	_ =	shalt  }
0x58: {  	_ =	shalt  }
0x59: {  	_ =	shalt  }
0x5a: {  	_ =	shalt  }
0x5b: {  	_ =	shalt  }
0x5c: {  	_ =	shalt  }
0x5d: {  	_ =	shalt  }
0x5e: {  	_ =	shalt  }
0x5f: {  	_ =	shalt  }
0x60: {  	_ =	shalt  }
0x61: {  	_ =	shalt  }
0x62: {  	_ =	shalt  }
0x63: {  	_ =	shalt  }
0x64: {  	_ =	shalt  }
0x65: {  	_ =	shalt  }
0x66: {  	_ =	shalt  }
0x67: {  	_ =	shalt  }
0x68: {  	_ =	shalt  }
0x69: {  	_ =	shalt  }
0x6a: {  	_ =	shalt  }
0x6b: {  	_ =	shalt  }
0x6c: {  	_ =	shalt  }
0x6d: {  	_ =	shalt  }
0x6e: {  	_ =	shalt  }
0x6f: {  	_ =	shalt  }
0x70: {  	_ =	shalt  }
0x71: {  	_ =	shalt  }
0x72: {  	_ =	shalt  }
0x73: {  	_ =	shalt  }
0x74: {  	_ =	shalt  }
0x75: {  	_ =	shalt  }
0x76: {  	_ =	shalt  }
0x77: {  	_ =	shalt  }
0x78: {  	_ =	shalt  }
0x79: {  	_ =	shalt  }
0x7a: {  	_ =	shalt  }
0x7b: {  	_ =	shalt  }
0x7c: {  	_ =	shalt  }
0x7d: {  	_ =	shalt  }
0x7e: {  	_ =	shalt  }
0x7f: {  	_ =	shalt  }
0x80: {  	_ =	shalt  }
0x81: {  	_ =	shalt  }
0x82: {  	_ =	shalt  }
0x83: {  	_ =	shalt  }
0x84: {  	_ =	shalt  }
0x85: {  	_ =	shalt  }
0x86: {  	_ =	shalt  }
0x87: {  	_ =	shalt  }
.Lfunc_end0:
.L_simem_size_0:
called_computation_lowered:
.L_overlay_start_0:
0x88: {  	s2 =	sld [smem:$0x3FD9]  }
0x89: {  	s3 =	sld [smem:$0x3FFE];
	_ =	sdelay $0x1  }
0x8a: {  	s1 =	srdreg.scid  }
0x8b: {  	s0 =	sand.u32 $0x1, s1  }
0x8c: {  	s14 =	sshll.u32 s0, $0xA;
	s2 =	sadd.s32 s3, s2  }
0x8d: {  	s2 =	sadd.s32 s2, s14  }
0x8e: {  	[smem:$0x3FC1] =	sst s2  }
0x8f: {  	_ = 	snop  }
0x90: {  	s2 =	sld [smem:$0x3FD0];
	_ =	sdelay $0x2  }
0x91: {  	s15 =	simm.s32 $0xA;
	s4 =	simm.s32 $0x10  }
0x92: {  	[smem:s4], [sflag:s15] =	dma.local [hbm:s2], $0x1  }
0x93: {  	_ =	swait.eq [sflag:s15], $0x1  }
0x94: {  	[sflag:s15] =	ssyncset.done $0x0  }
0x95: {  	s16 =	sld [smem:$0x10];
	[sflag:s15] =	ssyncadd.s32 $0xFFFFFFFF  }
0x96: {  	s17 =	sld [smem:$0x14];
	(tm) =	ssettm $0x1  }
0x97: {  	s18 =	sld [smem:$0x3FFB];
	_ =	sdelay $0x3  }
0x98: {  	_ =	strace s18  }
0x99: {  	s4 =	sld [smem:$0x3FFC];
	_ =	sdelay $0x3  }
0x9a: {  	_ =	strace s4  }
0x9b: {  	s4 =	sld [smem:$0x3FFD];
	_ =	sdelay $0x3  }
0x9c: {  	_ =	strace s4  }
0x9d: {  	_ =	strace $0x8FFFFFFF  }
0x9e: {  	s19 =	sld [smem:$0x3FDB];
	_ =	sdelay $0x1  }
0x9f: {  	s5 =	simm.s32 $_scs_section_size  }
0xa0: {  	s6 =	simm.s32 $_size__tile_overlayer_lowered;
	s7 =	simm.s32 $_tile_overlayer_lowered  }
0xa1: {  	s22 =	simm.s32 $0x1BFF;
	s21 =	sshll.u32 s7, $0x1;
	s4 =	sadd.s32 s5, s19  }
0xa2: {  	s8 =	simm.s32 $0x0;
	s20 =	sshll.u32 s6, $0x1;
	s6 =	sadd.s32 s21, s4  }
0xa3: {  	[timem:s8], [sflag:s22] =	dma.local [hbm:s6], s20  }
0xa4: {  	_ =	swait.ge [sflag:s22], s20  }
0xa5: {  	s5 =	ssub.s32 $0x0, s20;
	[sflag:s22] =	ssyncset.done $0x0  }
0xa6: {  	[sflag:s22] =	ssyncadd.s32 s5;
	_ =	sdelay $0x1  }
0xa7: {  	s23 =	simm.s32 $0x1B8B  }
0xa8: {  	_ =	swait.ge [sflag:s23], $0x1  }
0xa9: {  	[sflag:s23] =	ssyncset.done $0x0  }
0xaa: {  	s25 =	simm.s32 $0x1B8E;
	s24 =	sld [smem:$0x3FFE];
	[sflag:s23] =	ssyncadd.s32 $0xFFFFFFFF  }
0xab: {  	s26 =	simm.s32 $execute0_lowered;
	[smem:$0x3FD2] =	sst s25  }
0xac: {  	s6 =	sshll.u32 s26, $0x1;
	_ =	strace $0x80000046;
	[dreg:$0x1] =	wrdreg $0xFFFFFFFF  }
0xad: {  	s28 =	simm.s32 $_size_execute0_lowered;
	s4 =	sadd.s32 s4, s6;
	[dreg:$0x0] =	wrdreg $0x0  }
0xae: {  	s6 =	sshll.u32 s28, $0x1;
	[dreg:$0x2] =	wrdreg s4  }
0xaf: {  	[dreg:$0x3] =	wrdreg s6  }
0xb0: {  	[dreg:$0x4] =	wrdreg $0xC0  }
0xb1: {  	_ =	task [dreg:s8], $0x5FFFF  }
0xb2: {  	[dreg:$0x1] =	wrdreg $0xFFFFFFFF  }
0xb3: {  	[dreg:$0x0] =	wrdreg $0x60  }
0xb4: {  	[dreg:$0x2] =	wrdreg s24  }
0xb5: {  	[dreg:$0x3] =	wrdreg s17  }
0xb6: {  	[dreg:$0x4] =	wrdreg s16  }
0xb7: {  	[dreg:$0x5] =	wrdreg $0x9  }
0xb8: {  	_ =	task.clear_ibuf [dreg:s8], $0x6FFFF;
	_ =	strace $0x90000046  }
0xb9: {  	s29 =	simm.s32 $0x9;
	_ =	strace $0x80000048  }
0xba: {  	_ =	swait.ge [sflag:s29], $0x1  }
0xbb: {  	[sflag:s29] =	ssyncadd.s32 $0xFFFFFFFF  }
0xbc: {  	_ =	strace $0x90000048  }
0xbd: {  	_ =	sfence  }
0xbe: {  	s30 =	sld [smem:$0x0];
	_ =	sdelay $0x2  }
0xbf: {  	s31 =	sshll.u32 s1, $0xD;
	s1 =	sshrl.u32 s1, $0x2  }
0xc0: {  	s3 =	sand.u32 $0x4000, s31;
	s1 =	sadd.s32 s1, s30  }
0xc1: {  	s0 =	sor.u32 s3, s0;
	s1 =	sshll.u32 s1, $0x11  }
0xc2: {  	s0 =	sor.u32 s1, s0  }
0xc3: {  	s0 =	sadd.s32 $0x8F2B, s0  }
0xc4: {  	[sflag:s0] =	ssyncadd.remote.s32 $0x1  }
0xc5: {  	_ =	sfence.sel $0xFFFF  }
0xc6: {  	[dreg:$0x0] =	wrdreg $0xFFFFFFFF;
	(pc) =	sbr.abs _section_cstart, $3  }
0xc7: {  	[dreg:$0x1] =	wrdreg $0xFFFFFFFF  }
0xc8: {  	_ =	task.clear_ibuf [dreg:s8], $0x2FFFF;
	_ =	strace $0x9FFFFFFF  }
0xc9: {  	(tm) =	ssettm $0x7FFFFFFF  }
tec
execute0_lowered:
.L_overlay_start_1:
0x0: {  	(tag) =	ssettag $0x1  }
0x1: {  	s3 =	rddreg [dreg:$0x0]  }
0x2: {  	s4 =	rddreg [dreg:$0x1]  }
0x3: {  	s5 =	rddreg [dreg:$0x2]  }
0x4: {  	s0 =	rddreg [dreg:$0x3]  }
0x5: {  	s2 =	simm.s32 $0x0;
	s6 =	srdreg.scid;
	s1 =	stileid.u32  }
0x6: {  	s10 =	simm.s32 $0x1080;
	s11 =	simm.s32 $0x1880;
	s12 =	simm.s32 $0x2080  }
0x7: {  	s13 =	simm.s32 $0x2880;
	s14 =	simm.s32 $0x3080;
	s15 =	simm.s32 $0x3880  }
0x8: {  	s16 =	simm.s32 $0x4080;
	s17 =	simm.s32 $0x4880;
	s18 =	simm.s32 $0x5080  }
0x9: {  	s19 =	simm.s32 $0x5880;
	s20 =	simm.s32 $0x6080;
	s21 =	simm.s32 $0x6880  }
0xa: {  	s22 =	simm.s32 $0x7080;
	s23 =	simm.s32 $0x7880;
	s24 =	simm.s32 $0x1  }
0xb: {  	[smem:$0x7FF] =	sst s2;
	s6 =	sand.u32 $0x1, s6;
	s8 =	sshll.u32 s1, $0x8  }
0xc: {  	s3 =	sadd.s32 $0x1200, s3;
	s7 =	ssub.s32 $0x2, s6;
	s6 =	sshll.u32 s6, $0x7  }
0xd: {  	_ =	strace $0x80000047;
	s9 =	sshrl.u32 s7, $0x1;
	s6 =	sor.u32 s6, s8  }
0xe: {  	v2 =	vlaneseq.u32;
	s7 =	ssub.s32 s7, s9;
	s8 =	sshrl.u32 s6, $0x3;
	s6 =	sshll.u32 s6, $0x5  }
0xf: {  	vm0 =	vmmov $0xffff;
	v1 =	vshrl.u32 v2, $0x3;
	s9 =	simm.s32 $0x880;
	s4 =	sadd.s32 s4, s8;
	s5 =	sadd.s32 s5, s6  }
0x10: {  	v0 =	vand.u32 $0x7, v2;
	v2 =	vor.u32 $0x8, v2;
	v1 =	vmul.u32 $0x8, v1;
	s6 =	smax.u32 s7, $0x1;
	s7 =	simm.s32 $0x2;
	s8 =	simm.s32 $0x80  }
.LBB2_1:
0x11: {  	[tilespmem:s2], [sflag:$0x2] =	stream.linear.gather [hbm4b:s4+s2], $0x80, $0x38;
	[tilespmem:$0x8080] =	vst v63  }
0x12: {  	_ =	swait.ge [sflag:s7], $0x80  }
0x13: {  	[sflag:s7] =	ssyncset.done $0x0  }
0x14: {  	[sflag:s7] =	ssyncadd.s32 $0xFFFFFF80  }
0x15: {  	v3 =	vld [tilespmem:$0x0];
	_ =	sdelay $0x4  }
0x16: {  	v4 =	vshll.u32 v3, $0x1  }
0x17: {  	v3 =	vand.u32 $0x7, v3;
	v4 =	vand.u32 $0xFFFFFFF0, v4  }
0x18: {  	v3 =	vor.u32 v3, v4  }
0x19: {  	v4 =	vperm.xlane v3, v0;
	_ =	sdelay $0x1  }
0x1a: {  	v3 =	vperm.xlane v3, v2;
	v4 =	vadd.s32 v1, v4;
	_ =	sdelay $0x1  }
0x1b: {  	v3 =	vadd.s32 v1, v3;
	_ =	sdelay $0x2  }
0x1c: {  	[tilespmem:s8], [sflag:$0x1] =	stream.indirect_vreg.gather [hbm4b:s3+s2], $0x80, v4, vm0, $0xb8;
	[tilespmem:$0x8080] =	vst v63  }
0x1d: {  	_ = 	snop  }
0x1e: {  	[tilespmem:s9], [sflag:$0x1] =	stream.indirect_vreg.gather [hbm4b:s3+s2], $0x80, v3, vm0, $0xb8;
	[tilespmem:$0x8080] =	vst v63  }
0x1f: {  	v3 =	vld [tilespmem:$0x10];
	_ =	sdelay $0x4  }
0x20: {  	v57 =	vshll.u32 v3, $0x1  }
0x21: {  	v3 =	vand.u32 $0x7, v3;
	v4 =	vand.u32 $0xFFFFFFF0, v57  }
0x22: {  	v3 =	vor.u32 v3, v4  }
0x23: {  	v4 =	vperm.xlane v3, v0;
	_ =	sdelay $0x1  }
0x24: {  	v3 =	vperm.xlane v3, v2;
	v4 =	vadd.s32 v1, v4;
	_ =	sdelay $0x1  }
0x25: {  	v3 =	vadd.s32 v1, v3;
	_ =	sdelay $0x2  }
0x26: {  	[tilespmem:s10], [sflag:$0x1] =	stream.indirect_vreg.gather [hbm4b:s3+s2], $0x80, v4, vm0, $0xb8;
	[tilespmem:$0x8080] =	vst v63  }
0x27: {  	_ = 	snop  }
0x28: {  	[tilespmem:s11], [sflag:$0x1] =	stream.indirect_vreg.gather [hbm4b:s3+s2], $0x80, v3, vm0, $0xb8;
	[tilespmem:$0x8080] =	vst v63  }
0x29: {  	v3 =	vld [tilespmem:$0x20];
	_ =	sdelay $0x4  }
0x2a: {  	v58 =	vshll.u32 v3, $0x1  }
0x2b: {  	v3 =	vand.u32 $0x7, v3;
	v4 =	vand.u32 $0xFFFFFFF0, v58  }
0x2c: {  	v3 =	vor.u32 v3, v4  }
0x2d: {  	v4 =	vperm.xlane v3, v0;
	_ =	sdelay $0x1  }
0x2e: {  	v3 =	vperm.xlane v3, v2;
	v4 =	vadd.s32 v1, v4;
	_ =	sdelay $0x1  }
0x2f: {  	v3 =	vadd.s32 v1, v3;
	_ =	sdelay $0x2  }
0x30: {  	[tilespmem:s12], [sflag:$0x1] =	stream.indirect_vreg.gather [hbm4b:s3+s2], $0x80, v4, vm0, $0xb8;
	[tilespmem:$0x8080] =	vst v63  }
0x31: {  	_ = 	snop  }
0x32: {  	[tilespmem:s13], [sflag:$0x1] =	stream.indirect_vreg.gather [hbm4b:s3+s2], $0x80, v3, vm0, $0xb8;
	[tilespmem:$0x8080] =	vst v63  }
0x33: {  	v3 =	vld [tilespmem:$0x30];
	_ =	sdelay $0x4  }
0x34: {  	v59 =	vshll.u32 v3, $0x1  }
0x35: {  	v3 =	vand.u32 $0x7, v3;
	v4 =	vand.u32 $0xFFFFFFF0, v59  }
0x36: {  	v3 =	vor.u32 v3, v4  }
0x37: {  	v4 =	vperm.xlane v3, v0;
	_ =	sdelay $0x1  }
0x38: {  	v3 =	vperm.xlane v3, v2;
	v4 =	vadd.s32 v1, v4;
	_ =	sdelay $0x1  }
0x39: {  	v3 =	vadd.s32 v1, v3;
	_ =	sdelay $0x2  }
0x3a: {  	[tilespmem:s14], [sflag:$0x1] =	stream.indirect_vreg.gather [hbm4b:s3+s2], $0x80, v4, vm0, $0xb8;
	[tilespmem:$0x8080] =	vst v63  }
0x3b: {  	_ = 	snop  }
0x3c: {  	[tilespmem:s15], [sflag:$0x1] =	stream.indirect_vreg.gather [hbm4b:s3+s2], $0x80, v3, vm0, $0xb8;
	[tilespmem:$0x8080] =	vst v63  }
0x3d: {  	v3 =	vld [tilespmem:$0x40];
	_ =	sdelay $0x4  }
0x3e: {  	v60 =	vshll.u32 v3, $0x1  }
0x3f: {  	v3 =	vand.u32 $0x7, v3;
	v4 =	vand.u32 $0xFFFFFFF0, v60  }
0x40: {  	v3 =	vor.u32 v3, v4  }
0x41: {  	v4 =	vperm.xlane v3, v0;
	_ =	sdelay $0x1  }
0x42: {  	v3 =	vperm.xlane v3, v2;
	v4 =	vadd.s32 v1, v4;
	_ =	sdelay $0x1  }
0x43: {  	v3 =	vadd.s32 v1, v3;
	_ =	sdelay $0x2  }
0x44: {  	[tilespmem:s16], [sflag:$0x1] =	stream.indirect_vreg.gather [hbm4b:s3+s2], $0x80, v4, vm0, $0xb8;
	[tilespmem:$0x8080] =	vst v63  }
0x45: {  	_ = 	snop  }
0x46: {  	[tilespmem:s17], [sflag:$0x1] =	stream.indirect_vreg.gather [hbm4b:s3+s2], $0x80, v3, vm0, $0xb8;
	[tilespmem:$0x8080] =	vst v63  }
0x47: {  	v3 =	vld [tilespmem:$0x50];
	_ =	sdelay $0x4  }
0x48: {  	v61 =	vshll.u32 v3, $0x1  }
0x49: {  	v3 =	vand.u32 $0x7, v3;
	v4 =	vand.u32 $0xFFFFFFF0, v61  }
0x4a: {  	v3 =	vor.u32 v3, v4  }
0x4b: {  	v4 =	vperm.xlane v3, v0;
	_ =	sdelay $0x1  }
0x4c: {  	v3 =	vperm.xlane v3, v2;
	v4 =	vadd.s32 v1, v4;
	_ =	sdelay $0x1  }
0x4d: {  	v3 =	vadd.s32 v1, v3;
	_ =	sdelay $0x2  }
0x4e: {  	[tilespmem:s18], [sflag:$0x1] =	stream.indirect_vreg.gather [hbm4b:s3+s2], $0x80, v4, vm0, $0xb8;
	[tilespmem:$0x8080] =	vst v63  }
0x4f: {  	_ = 	snop  }
0x50: {  	[tilespmem:s19], [sflag:$0x1] =	stream.indirect_vreg.gather [hbm4b:s3+s2], $0x80, v3, vm0, $0xb8;
	[tilespmem:$0x8080] =	vst v63  }
0x51: {  	v3 =	vld [tilespmem:$0x60];
	_ =	sdelay $0x4  }
0x52: {  	v62 =	vshll.u32 v3, $0x1  }
0x53: {  	v3 =	vand.u32 $0x7, v3;
	v4 =	vand.u32 $0xFFFFFFF0, v62  }
0x54: {  	v3 =	vor.u32 v3, v4  }
0x55: {  	v4 =	vperm.xlane v3, v0;
	_ =	sdelay $0x1  }
0x56: {  	v3 =	vperm.xlane v3, v2;
	v4 =	vadd.s32 v1, v4;
	_ =	sdelay $0x1  }
0x57: {  	v3 =	vadd.s32 v1, v3;
	_ =	sdelay $0x2  }
0x58: {  	[tilespmem:s20], [sflag:$0x1] =	stream.indirect_vreg.gather [hbm4b:s3+s2], $0x80, v4, vm0, $0xb8;
	[tilespmem:$0x8080] =	vst v63  }
0x59: {  	_ = 	snop  }
0x5a: {  	[tilespmem:s21], [sflag:$0x1] =	stream.indirect_vreg.gather [hbm4b:s3+s2], $0x80, v3, vm0, $0xb8;
	[tilespmem:$0x8080] =	vst v63  }
0x5b: {  	v3 =	vld [tilespmem:$0x70];
	_ =	sdelay $0x4  }
0x5c: {  	v63 =	vshll.u32 v3, $0x1  }
0x5d: {  	v3 =	vand.u32 $0x7, v3;
	v4 =	vand.u32 $0xFFFFFFF0, v63  }
0x5e: {  	v3 =	vor.u32 v3, v4  }
0x5f: {  	v4 =	vperm.xlane v3, v0;
	_ =	sdelay $0x1  }
0x60: {  	v3 =	vperm.xlane v3, v2;
	v4 =	vadd.s32 v1, v4;
	_ =	sdelay $0x1  }
0x61: {  	v3 =	vadd.s32 v1, v3;
	_ =	sdelay $0x2  }
0x62: {  	[tilespmem:s22], [sflag:$0x1] =	stream.indirect_vreg.gather [hbm4b:s3+s2], $0x80, v4, vm0, $0xb8;
	[tilespmem:$0x8080] =	vst v63  }
0x63: {  	_ = 	snop  }
0x64: {  	[tilespmem:s23], [sflag:$0x1] =	stream.indirect_vreg.gather [hbm4b:s3+s2], $0x80, v3, vm0, $0xb8;
	[tilespmem:$0x8080] =	vst v63  }
0x65: {  	_ =	swait.ge [sflag:s24], $0x8000  }
0x66: {  	p0 =	sne.s32 s6, $0x1;
	[sflag:s24] =	ssyncset.done $0x0  }
.Ltmp0:
0x67: {  	[sflag:s24] =	ssyncadd.s32 $0xFFFF8000;
	(pc) =	sbr.rel @p0 .LBB2_1-.Ltmp0, $4  }
0x68: {  	[hbm4b:s5+s2] =	stream.linear.scatter [tilespmem:s8], [sflag:$0x2], $0x8000, $0x38;
	[tilespmem:$0x8080] =	vst v63  }
0x69: {  	_ =	swait.ge [sflag:s7], $0x8000  }
0x6a: {  	[sflag:s7] =	ssyncset.done $0x0  }
0x6b: {  	s6 =	sadd.s32 $0xFFFFFFFF, s6;
	[sflag:s7] =	ssyncadd.s32 $0xFFFF8000  }
0x6c: {  	_ =	sfence.sel $0x180000  }
0x6d: {  	[bflag:$0x0] =	sbarrier.arrive $0xFFFF  }
0x6e: {  	p0 =	sne.s32 s1, $0x0;
	_ =	strace $0x90000047  }
0x6f: {  	s0 =	sadd.s32 @!p0 $0x100000, s0;
	[bflag:$0x2] =	sbarrier.arrive $0xFFFF  }
0x70: {  	[sflag:s0] =	ssyncadd.tile.s32 @!p0 $0x1;
	_ =	shalt  }
.Lfunc_end2:
_tile_overlayer_lowered:
.L_overlay_start_2:
0x71: {  	(tag) =	ssettag $0x2  }
0x72: {  	s0 =	rddreg [dreg:$0x0];
	s2 =	stileid.u32  }
0x73: {  	s1 =	rddreg [dreg:$0x1];
	p0 =	sne.s32 s2, $0x0  }
0x74: {  	s3 =	rddreg [dreg:$0x2];
	[bflag:$0x3] =	sbarrier.arrive $0xFFFF;
	s2 =	simm.s32 @!p0 $0x1C02  }
0x75: {  	[timem:s3], [sflag:s2] =	dma.local @!p0 [hbm:s0], s1  }
0x76: {  	s0 =	simm.s32 @!p0 $0x2  }
0x77: {  	_ =	swait.ge @!p0 [sflag:s0], s1  }
0x78: {  	s1 =	ssub.s32 @!p0 $0x0, s1;
	[sflag:s0] =	ssyncset.done @!p0 $0x0  }
0x79: {  	[sflag:s0] =	ssyncadd.s32 @!p0 s1  }
0x7a: {  	[bflag:$0x3] =	sbarrier.arrive $0xFFFF  }
0x7b: {  	_ =	shalt  }

</sc_bundles>
